<compile_context>
chip_gen: v7x
topology: tpu7x:2x2x1
jax: 0.10.2.dev20260603
libtpu: 0.0.44.dev20260713+nightly
codegen_flags: <defaults>
</compile_context>

<pallas_src>
import functools

import jax
import jax.numpy as jnp
from jax import lax
from jax.experimental import pallas as pl
from jax.experimental.pallas import tpu as pltpu
from jax.experimental.pallas import tpu_sc as plsc

_B = 256
_T = 1000
_F = 4 * 64 * 64
_L = 16
_NW = _B // _L
_NC = 2


def _sc_gather_body(t_hbm, a_hbm, b_hbm, c1_hbm, c2_hbm,
                    idx_v, o1_v, o2_v, sem1, sem2):
    wid = lax.axis_index("s")

    @pl.when(wid < _NW)
    def _():
        sl = pl.ds(wid * _L, _L)
        pltpu.sync_copy(t_hbm.at[sl], idx_v)
        g1 = pltpu.async_copy(a_hbm.at[idx_v], o1_v, sem1)
        g2 = pltpu.async_copy(b_hbm.at[idx_v], o2_v, sem2)
        g1.wait()
        g2.wait()
        w1 = pltpu.async_copy(o1_v, c1_hbm.at[sl], sem1)
        w2 = pltpu.async_copy(o2_v, c2_hbm.at[sl], sem2)
        w1.wait()
        w2.wait()


_sc_gather = functools.partial(
    pl.kernel,
    mesh=plsc.VectorSubcoreMesh(core_axis_name="c", subcore_axis_name="s", num_cores=1),
    out_type=(
        jax.ShapeDtypeStruct((_B,), jnp.float32),
        jax.ShapeDtypeStruct((_B,), jnp.float32),
    ),
    scratch_types=[
        pltpu.VMEM((_L,), jnp.int32),
        pltpu.VMEM((_L,), jnp.float32),
        pltpu.VMEM((_L,), jnp.float32),
        pltpu.SemaphoreType.DMA,
        pltpu.SemaphoreType.DMA,
    ],
)(_sc_gather_body)


_ROWS = 8192
_GRID = _F // _ROWS


def _combine_body(c1_ref, c2_ref, x_ref, n_ref, o_ref):
    o_ref[...] = c1_ref[...] * x_ref[...] + c2_ref[...] * n_ref[...]


def _combine(c1, c2, x, n):
    return pl.pallas_call(
        _combine_body,
        grid=(_GRID,),
        in_specs=[
            pl.BlockSpec((1, _B), lambda i: (0, 0)),
            pl.BlockSpec((1, _B), lambda i: (0, 0)),
            pl.BlockSpec((_ROWS, _B), lambda i: (i, 0)),
            pl.BlockSpec((_ROWS, _B), lambda i: (i, 0)),
        ],
        out_specs=pl.BlockSpec((_ROWS, _B), lambda i: (i, 0)),
        out_shape=jax.ShapeDtypeStruct((_F, _B), jnp.float32),
    )(c1, c2, x, n)


def kernel(img, noise, t, sqrt_a_bar, sqrt_one_minus_a_bar):
    c1, c2 = _sc_gather(t, sqrt_a_bar, sqrt_one_minus_a_bar)
    xt = img.transpose(1, 2, 3, 0).reshape(_F, _B)
    nt = noise.transpose(1, 2, 3, 0).reshape(_F, _B)
    out = _combine(c1.reshape(1, _B), c2.reshape(1, _B), xt, nt)
    return out.reshape(img.shape[1:] + (_B,)).transpose(3, 0, 1, 2)

# --- scband reference (transcript-rebuilt; emitter-appended) ---
"""Pipeline reference for scband-diffusions-constance-54228257079724 (READ-ONLY COPY).

The authoritative reference and input builder live on the scoring server;
editing this copy changes nothing except your own understanding.
"""

import jax, jax.numpy as jnp
import numpy as np
from math import pi


def _cosine_betas(timesteps: int, s: float = 0.008):
    steps = timesteps + 1
    x = np.linspace(0, timesteps, steps, dtype=np.float64)
    a_bar = np.cos((x / timesteps + s) / (1 + s) * pi * 0.5) ** 2
    a_bar = a_bar / a_bar[0]
    betas = 1 - a_bar[1:] / a_bar[:-1]
    return np.clip(betas, 0.0, 0.999)


def setup_inputs(seed: int = 0) -> dict:
    key = jax.random.key(seed)
    k1, k2, k3 = jax.random.split(key, 3)
    timesteps = 1000
    betas = _cosine_betas(timesteps)
    a_bar = np.cumprod(1.0 - betas)
    sqrt_a_bar = jnp.asarray(np.sqrt(a_bar), dtype=jnp.float32)
    sqrt_one_minus_a_bar = jnp.asarray(np.sqrt(1.0 - a_bar), dtype=jnp.float32)
    img = jax.random.normal(k1, (256, 4, 64, 64), dtype=jnp.float32)
    noise = jax.random.normal(k2, (256, 4, 64, 64), dtype=jnp.float32)
    t = jax.random.randint(k3, (256,), 0, timesteps, dtype=jnp.int32)
    return {
        "img": img,
        "noise": noise,
        "t": t,
        "sqrt_a_bar": sqrt_a_bar,
        "sqrt_one_minus_a_bar": sqrt_one_minus_a_bar,
    }


def _extract(a, t, ndim):
    b = t.shape[0]
    out = jnp.take(a, t, axis=0)
    return out.reshape((b,) + (1,) * (ndim - 1))


def reference(img, noise, t, sqrt_a_bar, sqrt_one_minus_a_bar):
    # Faithful port of Diffusions_Constance.mix_img_and_noise (q_sample forward):
    # extract(sqrt_a_bar, t, img.shape) * img + extract(sqrt_one_minus_a_bar, t, img.shape) * noise
    c1 = _extract(sqrt_a_bar, t, img.ndim)
    c2 = _extract(sqrt_one_minus_a_bar, t, img.ndim)
    return c1 * img + c2 * noise

if __name__ == "__main__":
    import jax
    _d = setup_inputs()
    print(jax.jit(kernel)(*tuple(_d.values())))

</pallas_src>

<mosaic_0001>
#map = affine_map<(d0, d1) -> (0)>
module attributes {stable_mosaic.version = 14 : i64} {
  func.func @_sc_gather_body(%arg0: i32, %arg1: i32, %arg2: memref<256xi32, #tpu.memory_space<hbm>>, %arg3: memref<1000xf32, #tpu.memory_space<hbm>>, %arg4: memref<1000xf32, #tpu.memory_space<hbm>>, %arg5: memref<256xf32, #tpu.memory_space<hbm>>, %arg6: memref<256xf32, #tpu.memory_space<hbm>>, %arg7: memref<16xi32, #tpu.memory_space<vmem>>, %arg8: memref<16xf32, #tpu.memory_space<vmem>>, %arg9: memref<16xf32, #tpu.memory_space<vmem>>, %arg10: memref<!tpu.dma_semaphore, #tpu.memory_space<semaphore_mem>>, %arg11: memref<!tpu.dma_semaphore, #tpu.memory_space<semaphore_mem>>) attributes {dimension_semantics = [#tpu.dimension_semantics<core_parallel>, #tpu.dimension_semantics<subcore_parallel>], iteration_bounds = array<i64: 1, 16>, scalar_prefetch = 0 : i64, scratch_operands = 5 : i64, tpu.core_type = #tpu.core_type<sc_vector_subcore>, window_params = [{transform_indices = #map}, {transform_indices = #map}, {transform_indices = #map}, {transform_indices = #map}, {transform_indices = #map}]} {
    %lt3A = arith.constant 16 : i32
    %lt3A_0 = arith.cmpi slt, %arg1, %lt3A : i32
    %convert_element_type3A = arith.extui %lt3A_0 : i1 to i32
    %cond3A = arith.constant 0 : i32
    %cond3A_1 = arith.cmpi ne, %convert_element_type3A, %cond3A : i32
    scf.if %cond3A_1 {
      %mul3A = arith.constant 16 : i32
      %mul3A_2 = arith.muli %arg1, %mul3A : i32
      "tpu.region"() ({
        %run_scoped3A = tpu.sem_alloc : memref<!tpu.dma_semaphore, #tpu.memory_space<semaphore_mem>>
        %dma_start3A_17 = tpu.memref_slice %arg2[%mul3A_2] : memref<256xi32, #tpu.memory_space<hbm>> -> memref<16xi32, #tpu.memory_space<hbm>>
        %dma_start3A_18 = tpu.memref_slice %arg2[%mul3A_2] : memref<256xi32, #tpu.memory_space<hbm>> -> memref<16xi32, #tpu.memory_space<hbm>>
        tpu.enqueue_dma source(%dma_start3A_18 : memref<16xi32, #tpu.memory_space<hbm>>) target(%arg7 : memref<16xi32, #tpu.memory_space<vmem>>) target_semaphore(%run_scoped3A : memref<!tpu.dma_semaphore, #tpu.memory_space<semaphore_mem>>)
        %dma_wait3A_19 = tpu.memref_slice %arg2[%mul3A_2] : memref<256xi32, #tpu.memory_space<hbm>> -> memref<16xi32, #tpu.memory_space<hbm>>
        %dma_wait3A_20 = tpu.memref_slice %arg2[%mul3A_2] : memref<256xi32, #tpu.memory_space<hbm>> -> memref<16xi32, #tpu.memory_space<hbm>>
        tpu.wait_dma2 semaphore(%run_scoped3A : memref<!tpu.dma_semaphore, #tpu.memory_space<semaphore_mem>>) src(%dma_wait3A_20 : memref<16xi32, #tpu.memory_space<hbm>>) dst(%arg7 : memref<16xi32, #tpu.memory_space<vmem>>)
        tpu.yield
      }) : () -> ()
      %dma_start3A = arith.constant 0 : i32
      %dma_start3A_3 = tpu.memref_slice %arg3[%dma_start3A] : memref<1000xf32, #tpu.memory_space<hbm>> -> memref<1000xf32, #tpu.memory_space<hbm>>
      tpu.enqueue_indirect_dma source(%dma_start3A_3 : memref<1000xf32, #tpu.memory_space<hbm>>) target(%arg8 : memref<16xf32, #tpu.memory_space<vmem>>) offsets(%arg7 : memref<16xi32, #tpu.memory_space<vmem>>) semaphore(%arg10 : memref<!tpu.dma_semaphore, #tpu.memory_space<semaphore_mem>>)
      %dma_start3A_4 = arith.constant 0 : i32
      %dma_start3A_5 = tpu.memref_slice %arg4[%dma_start3A_4] : memref<1000xf32, #tpu.memory_space<hbm>> -> memref<1000xf32, #tpu.memory_space<hbm>>
      tpu.enqueue_indirect_dma source(%dma_start3A_5 : memref<1000xf32, #tpu.memory_space<hbm>>) target(%arg9 : memref<16xf32, #tpu.memory_space<vmem>>) offsets(%arg7 : memref<16xi32, #tpu.memory_space<vmem>>) semaphore(%arg11 : memref<!tpu.dma_semaphore, #tpu.memory_space<semaphore_mem>>)
      %dma_wait3A = arith.constant 0 : i32
      %dma_wait3A_6 = tpu.memref_slice %arg3[%dma_wait3A] : memref<1000xf32, #tpu.memory_space<hbm>> -> memref<1000xf32, #tpu.memory_space<hbm>>
      tpu.wait_indirect_dma semaphore(%arg10 : memref<!tpu.dma_semaphore, #tpu.memory_space<semaphore_mem>>) src(%dma_wait3A_6 : memref<1000xf32, #tpu.memory_space<hbm>>) dst(%arg8 : memref<16xf32, #tpu.memory_space<vmem>>)
      %dma_wait3A_7 = arith.constant 0 : i32
      %dma_wait3A_8 = tpu.memref_slice %arg4[%dma_wait3A_7] : memref<1000xf32, #tpu.memory_space<hbm>> -> memref<1000xf32, #tpu.memory_space<hbm>>
      tpu.wait_indirect_dma semaphore(%arg11 : memref<!tpu.dma_semaphore, #tpu.memory_space<semaphore_mem>>) src(%dma_wait3A_8 : memref<1000xf32, #tpu.memory_space<hbm>>) dst(%arg9 : memref<16xf32, #tpu.memory_space<vmem>>)
      %dma_start3A_9 = tpu.memref_slice %arg5[%mul3A_2] : memref<256xf32, #tpu.memory_space<hbm>> -> memref<16xf32, #tpu.memory_space<hbm>>
      %dma_start3A_10 = tpu.memref_slice %arg5[%mul3A_2] : memref<256xf32, #tpu.memory_space<hbm>> -> memref<16xf32, #tpu.memory_space<hbm>>
      tpu.enqueue_dma source(%arg8 : memref<16xf32, #tpu.memory_space<vmem>>) target(%dma_start3A_10 : memref<16xf32, #tpu.memory_space<hbm>>) target_semaphore(%arg10 : memref<!tpu.dma_semaphore, #tpu.memory_space<semaphore_mem>>)
      %dma_start3A_11 = tpu.memref_slice %arg6[%mul3A_2] : memref<256xf32, #tpu.memory_space<hbm>> -> memref<16xf32, #tpu.memory_space<hbm>>
      %dma_start3A_12 = tpu.memref_slice %arg6[%mul3A_2] : memref<256xf32, #tpu.memory_space<hbm>> -> memref<16xf32, #tpu.memory_space<hbm>>
      tpu.enqueue_dma source(%arg9 : memref<16xf32, #tpu.memory_space<vmem>>) target(%dma_start3A_12 : memref<16xf32, #tpu.memory_space<hbm>>) target_semaphore(%arg11 : memref<!tpu.dma_semaphore, #tpu.memory_space<semaphore_mem>>)
      %dma_wait3A_13 = tpu.memref_slice %arg5[%mul3A_2] : memref<256xf32, #tpu.memory_space<hbm>> -> memref<16xf32, #tpu.memory_space<hbm>>
      %dma_wait3A_14 = tpu.memref_slice %arg5[%mul3A_2] : memref<256xf32, #tpu.memory_space<hbm>> -> memref<16xf32, #tpu.memory_space<hbm>>
      tpu.wait_dma2 semaphore(%arg10 : memref<!tpu.dma_semaphore, #tpu.memory_space<semaphore_mem>>) src(%arg8 : memref<16xf32, #tpu.memory_space<vmem>>) dst(%dma_wait3A_14 : memref<16xf32, #tpu.memory_space<hbm>>)
      %dma_wait3A_15 = tpu.memref_slice %arg6[%mul3A_2] : memref<256xf32, #tpu.memory_space<hbm>> -> memref<16xf32, #tpu.memory_space<hbm>>
      %dma_wait3A_16 = tpu.memref_slice %arg6[%mul3A_2] : memref<256xf32, #tpu.memory_space<hbm>> -> memref<16xf32, #tpu.memory_space<hbm>>
      tpu.wait_dma2 semaphore(%arg11 : memref<!tpu.dma_semaphore, #tpu.memory_space<semaphore_mem>>) src(%arg9 : memref<16xf32, #tpu.memory_space<vmem>>) dst(%dma_wait3A_16 : memref<16xf32, #tpu.memory_space<hbm>>)
    } else {
    }
    return
  }
}

module attributes {stable_mosaic.version = 14 : i64} {
  func.func @_combine_body(%arg0: i32, %arg1: memref<1x256xf32, #tpu.memory_space<vmem>>, %arg2: memref<1x256xf32, #tpu.memory_space<vmem>>, %arg3: memref<8192x256xf32, #tpu.memory_space<vmem>>, %arg4: memref<8192x256xf32, #tpu.memory_space<vmem>>, %arg5: memref<8192x256xf32, #tpu.memory_space<vmem>>) attributes {dimension_semantics = [#tpu.dimension_semantics<arbitrary>], iteration_bounds = array<i64: 2>, scalar_prefetch = 0 : i64, scratch_operands = 0 : i64, tpu.core_type = #tpu.core_type<tc>, window_params = [{pipeline_mode = #tpu.pipeline_mode<synchronous>, transform_indices = @transform_0, window_bounds = array<i64: 1, 256>}, {pipeline_mode = #tpu.pipeline_mode<synchronous>, transform_indices = @transform_1, window_bounds = array<i64: 1, 256>}, {transform_indices = @transform_2, window_bounds = array<i64: 8192, 256>}, {transform_indices = @transform_3, window_bounds = array<i64: 8192, 256>}, {transform_indices = @transform_4, window_bounds = array<i64: 8192, 256>}]} {
    %get3A = arith.constant 0 : index
    %get3A_0 = arith.constant 0 : index
    %get3A_1 = vector.load %arg1[%get3A, %get3A_0] : memref<1x256xf32, #tpu.memory_space<vmem>>, vector<1x256xf32>
    %get3A_2 = arith.constant 0 : index
    %get3A_3 = arith.constant 0 : index
    %get3A_4 = vector.load %arg3[%get3A_2, %get3A_3] : memref<8192x256xf32, #tpu.memory_space<vmem>>, vector<8192x256xf32>
    %mul3A = vector.broadcast %get3A_1 : vector<1x256xf32> to vector<8192x256xf32>
    %mul3A_5 = arith.mulf %mul3A, %get3A_4 : vector<8192x256xf32>
    %get3A_6 = arith.constant 0 : index
    %get3A_7 = arith.constant 0 : index
    %get3A_8 = vector.load %arg2[%get3A_6, %get3A_7] : memref<1x256xf32, #tpu.memory_space<vmem>>, vector<1x256xf32>
    %get3A_9 = arith.constant 0 : index
    %get3A_10 = arith.constant 0 : index
    %get3A_11 = vector.load %arg4[%get3A_9, %get3A_10] : memref<8192x256xf32, #tpu.memory_space<vmem>>, vector<8192x256xf32>
    %mul3A_12 = vector.broadcast %get3A_8 : vector<1x256xf32> to vector<8192x256xf32>
    %mul3A_13 = arith.mulf %mul3A_12, %get3A_11 : vector<8192x256xf32>
    %add3A = arith.addf %mul3A_5, %mul3A_13 : vector<8192x256xf32>
    %swap3A = arith.constant 0 : index
    %swap3A_14 = arith.constant 0 : index
    %swap3A_15 = vector.load %arg5[%swap3A, %swap3A_14] : memref<8192x256xf32, #tpu.memory_space<vmem>>, vector<8192x256xf32>
    tpu.vector_store %arg5[%swap3A, %swap3A_14], %add3A {strides = array<i32>} : memref<8192x256xf32, #tpu.memory_space<vmem>>, vector<8192x256xf32>,
    return
  }
  func.func @transform_0(%arg0: i32) -> (i32, i32) {
    %c0_i32 = arith.constant 0 : i32
    %c0_i32_0 = arith.constant 0 : i32
    %c0_i32_1 = arith.constant 0 : i32
    return %c0_i32, %c0_i32_0 : i32, i32
  }
  func.func @transform_1(%arg0: i32) -> (i32, i32) {
    %c0_i32 = arith.constant 0 : i32
    %c0_i32_0 = arith.constant 0 : i32
    %c0_i32_1 = arith.constant 0 : i32
    return %c0_i32, %c0_i32_0 : i32, i32
  }
  func.func @transform_2(%arg0: i32) -> (i32, i32) {
    %c0_i32 = arith.constant 0 : i32
    %c0_i32_0 = arith.constant 0 : i32
    return %arg0, %c0_i32 : i32, i32
  }
  func.func @transform_3(%arg0: i32) -> (i32, i32) {
    %c0_i32 = arith.constant 0 : i32
    %c0_i32_0 = arith.constant 0 : i32
    return %arg0, %c0_i32 : i32, i32
  }
  func.func @transform_4(%arg0: i32) -> (i32, i32) {
    %c0_i32 = arith.constant 0 : i32
    %c0_i32_0 = arith.constant 0 : i32
    return %arg0, %c0_i32 : i32, i32
  }
}

</mosaic_0001>

<sc_bundles>
// kernel: kernel.4.cloned.1.call-start
scs
__scs_entry_jumppad:
0x0: {  	(pc) =	sbr.rel $0x88, $3  }
0x1: {  	(tag) =	ssettag $0x0;
	lr =	simm.s32 $0x1  }
0x2: {  	[smem:$0x3F9C] =	sst lr;
	_ =	strace $0xD0000000  }
0x3: {  	_ = 	snop  }
0x4: {  	_ = 	snop  }
0x5: {  	_ = 	snop  }
0x6: {  	_ = 	snop  }
0x7: {  	_ = 	snop  }
__scs_overlays_trampoline_lowered:
0x8: {  	[smem:$0x3FAB] =	sst s0  }
0x9: {  	[smem:$0x3FAC] =	sst s1  }
0xa: {  	[smem:$0x3FAD] =	sst s2  }
0xb: {  	[smem:$0x3FAE] =	sst s3  }
0xc: {  	[smem:$0x3FAF] =	sst s4  }
0xd: {  	[smem:$0x3FB0] =	sst s5  }
0xe: {  	[smem:$0x3FB1] =	sst s6  }
0xf: {  	[smem:$0x3FB2] =	sst s7  }
0x10: {  	[smem:$0x3FB3] =	sst s8  }
0x11: {  	[smem:$0x3FB4] =	sst s9;
	s0 =	simm.s32 @!p0 $0x0  }
0x12: {  	s1 =	sld [smem:$0x3F9A];
	s0 =	simm.s32 @p0 $0x1  }
0x13: {  	[smem:$0x3FB5] =	sst s0;
	s0 =	simm.s32 @!p1 $0x0  }
0x14: {  	s2 =	sld [smem:$0x3F99];
	s0 =	simm.s32 @p1 $0x1  }
0x15: {  	[smem:$0x3FB6] =	sst s0;
	s0 =	simm.s32 @!p2 $0x0  }
0x16: {  	s3 =	sld [smem:$0x3FDB];
	s0 =	simm.s32 @p2 $0x1  }
0x17: {  	s4 =	simm.s32 $0x1BF5;
	[smem:$0x3FB8] =	sst s0  }
0x18: {  	s0 =	sld [smem:$0x3F9B];
	_ =	swait.ge [sflag:s4], $0x0  }
0x19: {  	s7 =	sld [smem:$0x3F9C]  }
0x1a: {  	s8 =	sadd.s32 $0xFFFFE003, lr  }
0x1b: {  	s9 =	sadd.s32 $0xFFFFFEF7, lr;
	s5 =	simm.s32 $0xFFFFFFFF;
	p2 =	slt.u32 s8, $0xFFFFF086  }
0x1c: {  	p1 =	slt.u32 s9, $0xF7A;
	s5 =	simm.s32 @!p2 $0x0  }
0x1d: {  	s5 =	simm.s32 @p1 $0x1;
	p0 =	seq.s32 s7, s2  }
0x1e: {  	s7 =	smul.u32 @!p0 $0xF7A, s2;
	p2 =	seq.s32 @!p0 s5, $0x0  }
0x1f: {  	s9 =	smul.u32 $0xF7A, s1;
	s8 =	simm.s32 @!p0 $0x1BF5;
	p2 =	por !p2, p0  }
0x20: {  	[sflag:s8] =	ssyncset.s32 @!p0 $0xFFFFF086;
	s6 =	sadd.s32 @!p0 s3, s7;
	s7 =	simm.s32 @!p0 $0x108  }
0x21: {  	s3 =	sadd.s32 s3, s9;
	s6 =	sadd.s32 @!p0 $0x88, s6;
	s7 =	simm.s32 @p2 $0x1082  }
0x22: {  	[simem:s7], [sflag:s8] =	dma.local @!p0 [hbm:s6], $0xF7A  }
0x23: {  	s9 =	sor.u32 $0xD0000000, s2;
	s6 =	simm.s32 $0x108;
	_ =	swait.ge @!p0 [sflag:s8], $0x0  }
0x24: {  	s3 =	sadd.s32 $0x88, s3;
	s6 =	simm.s32 @!p1 $0x1082;
	[sflag:s4] =	ssyncset.s32 $0xFFFFF086  }
0x25: {  	[simem:s6], [sflag:s4] =	dma.local [hbm:s3], $0xF7A  }
0x26: {  	[smem:$0x3F9C] =	sst s1;
	(tag) =	ssettag s2;
	_ =	strace s9  }
0x27: {  	s1 =	sld [smem:$0x3FAC]  }
0x28: {  	s2 =	sld [smem:$0x3FAD]  }
0x29: {  	s4 =	sld [smem:$0x3FAF]  }
0x2a: {  	p0 =	seq.s32 s5, $0x0;
	s5 =	sld [smem:$0x3FB0]  }
0x2b: {  	s6 =	sld [smem:$0x3FB1]  }
0x2c: {  	s7 =	sld [smem:$0x3FB2]  }
0x2d: {  	s3 =	simm.s32 $0x108;
	s8 =	sld [smem:$0x3FB3]  }
0x2e: {  	s3 =	simm.s32 @!p0 $0x1082;
	s9 =	sld [smem:$0x3FB4]  }
0x2f: {  	lr =	sadd.s32 s0, s3;
	s0 =	sld [smem:$0x3FAB]  }
0x30: {  	s3 =	sld [smem:$0x3FAE]  }
0x31: {  	[smem:$0x3FB7] =	sst s10  }
0x32: {  	s10 =	sld [smem:$0x3FB5];
	_ =	sdelay $0x3  }
0x33: {  	p0 =	seq.s32 s10, $0x1;
	s10 =	sld [smem:$0x3FB7];
	_ =	sdelay $0x3  }
0x34: {  	[smem:$0x3FB7] =	sst s10  }
0x35: {  	s10 =	sld [smem:$0x3FB6];
	_ =	sdelay $0x3  }
0x36: {  	p1 =	seq.s32 s10, $0x1;
	s10 =	sld [smem:$0x3FB7];
	_ =	sdelay $0x3  }
0x37: {  	[smem:$0x3FB7] =	sst s10  }
0x38: {  	s10 =	sld [smem:$0x3FB8]  }
0x39: {  	_ = 	snop;
	(pc) =	sbr.ind lr, $3  }
0x3a: {  	_ = 	snop  }
0x3b: {  	_ = 	snop  }
0x3c: {  	p2 =	seq.s32 s10, $0x1;
	s10 =	sld [smem:$0x3FB7]  }
0x3d: {  	_ =	shalt  }
0x3e: {  	_ =	shalt  }
0x3f: {  	_ =	shalt  }
0x40: {  	_ =	shalt  }
0x41: {  	_ =	shalt  }
0x42: {  	_ =	shalt  }
0x43: {  	_ =	shalt  }
0x44: {  	_ =	shalt  }
0x45: {  	_ =	shalt  }
0x46: {  	_ =	shalt  }
0x47: {  	_ =	shalt  }
0x48: {  	_ =	shalt  }
0x49: {  	_ =	shalt  }
0x4a: {  	_ =	shalt  }
0x4b: {  	_ =	shalt  }
0x4c: {  	_ =	shalt  }
0x4d: {  	_ =	shalt  }
0x4e: {  	_ =	shalt  }
0x4f: {  	_ =	shalt  }
0x50: {  	_ =	shalt  }
0x51: {  	_ =	shalt  }
0x52: {  	_ =	shalt  }
0x53: {  	_ =	shalt  }
0x54: {  	_ =	shalt  }
0x55: {  	_ =	shalt  }
0x56: {  	_ =	shalt  }
0x57: {  	_ =	shalt  }
0x58: {  	_ =	shalt  }
0x59: {  	_ =	shalt  }
0x5a: {  	_ =	shalt  }
0x5b: {  	_ =	shalt  }
0x5c: {  	_ =	shalt  }
0x5d: {  	_ =	shalt  }
0x5e: {  	_ =	shalt  }
0x5f: {  	_ =	shalt  }
0x60: {  	_ =	shalt  }
0x61: {  	_ =	shalt  }
0x62: {  	_ =	shalt  }
0x63: {  	_ =	shalt  }
0x64: {  	_ =	shalt  }
0x65: {  	_ =	shalt  }
0x66: {  	_ =	shalt  }
0x67: {  	_ =	shalt  }
0x68: {  	_ =	shalt  }
0x69: {  	_ =	shalt  }
0x6a: {  	_ =	shalt  }
0x6b: {  	_ =	shalt  }
0x6c: {  	_ =	shalt  }
0x6d: {  	_ =	shalt  }
0x6e: {  	_ =	shalt  }
0x6f: {  	_ =	shalt  }
0x70: {  	_ =	shalt  }
0x71: {  	_ =	shalt  }
0x72: {  	_ =	shalt  }
0x73: {  	_ =	shalt  }
0x74: {  	_ =	shalt  }
0x75: {  	_ =	shalt  }
0x76: {  	_ =	shalt  }
0x77: {  	_ =	shalt  }
0x78: {  	_ =	shalt  }
0x79: {  	_ =	shalt  }
0x7a: {  	_ =	shalt  }
0x7b: {  	_ =	shalt  }
0x7c: {  	_ =	shalt  }
0x7d: {  	_ =	shalt  }
0x7e: {  	_ =	shalt  }
0x7f: {  	_ =	shalt  }
0x80: {  	_ =	shalt  }
0x81: {  	_ =	shalt  }
0x82: {  	_ =	shalt  }
0x83: {  	_ =	shalt  }
0x84: {  	_ =	shalt  }
0x85: {  	_ =	shalt  }
0x86: {  	_ =	shalt  }
0x87: {  	_ =	shalt  }
.Lfunc_end0:
.L_simem_size_0:
called_computation_lowered:
.L_overlay_start_0:
0x88: {  	s0 =	sld [smem:$0x3FD9]  }
0x89: {  	s1 =	sld [smem:$0x3FFE];
	_ =	sdelay $0x3  }
0x8a: {  	s0 =	sadd.s32 s1, s0  }
0x8b: {  	[smem:$0x3FC3] =	sst s0  }
0x8c: {  	_ = 	snop  }
0x8d: {  	s0 =	sld [smem:$0x3FC7]  }
0x8e: {  	s16 =	sld [smem:$0x3FC6]  }
0x8f: {  	s2 =	sld [smem:$0x3FC5]  }
0x90: {  	s3 =	sld [smem:$0x3FD0];
	(tm) =	ssettm $0x1  }
0x91: {  	s4 =	sld [smem:$0x3FFB];
	_ =	sdelay $0x3  }
0x92: {  	_ =	strace s4  }
0x93: {  	s4 =	sld [smem:$0x3FFC];
	_ =	sdelay $0x3  }
0x94: {  	_ =	strace s4  }
0x95: {  	s4 =	sld [smem:$0x3FFD];
	_ =	sdelay $0x3  }
0x96: {  	_ =	strace s4  }
0x97: {  	_ =	strace $0x8FFFFFFF  }
0x98: {  	s17 =	sld [smem:$0x3FDB];
	_ =	sdelay $0x1  }
0x99: {  	s5 =	simm.s32 $_scs_section_size  }
0x9a: {  	s6 =	simm.s32 $_size__tile_overlayer_lowered;
	s7 =	simm.s32 $_tile_overlayer_lowered  }
0x9b: {  	s20 =	simm.s32 $0x1BFF;
	s19 =	sshll.u32 s7, $0x1;
	s4 =	sadd.s32 s5, s17  }
0x9c: {  	s8 =	simm.s32 $0x0;
	s18 =	sshll.u32 s6, $0x1;
	s6 =	sadd.s32 s19, s4  }
0x9d: {  	[timem:s8], [sflag:s20] =	dma.local [hbm:s6], s18  }
0x9e: {  	_ =	swait.ge [sflag:s20], s18  }
0x9f: {  	s5 =	ssub.s32 $0x0, s18;
	[sflag:s20] =	ssyncset.done $0x0  }
0xa0: {  	[sflag:s20] =	ssyncadd.s32 s5;
	_ =	sdelay $0x1  }
0xa1: {  	s21 =	simm.s32 $0x1B8B  }
0xa2: {  	_ =	swait.ge [sflag:s21], $0x1  }
0xa3: {  	[sflag:s21] =	ssyncset.done $0x0  }
0xa4: {  	s23 =	simm.s32 $0x1B8E;
	s22 =	sld [smem:$0x3FFE];
	[sflag:s21] =	ssyncadd.s32 $0xFFFFFFFF  }
0xa5: {  	s24 =	simm.s32 $execute0_lowered;
	[smem:$0x3FD2] =	sst s23  }
0xa6: {  	s6 =	sshll.u32 s24, $0x1;
	_ =	strace $0x80000046;
	[dreg:$0x1] =	wrdreg $0xFFFFFFFF  }
0xa7: {  	s25 =	simm.s32 $_size_execute0_lowered;
	s4 =	sadd.s32 s4, s6;
	[dreg:$0x0] =	wrdreg $0x0  }
0xa8: {  	s6 =	sshll.u32 s25, $0x1;
	[dreg:$0x2] =	wrdreg s4  }
0xa9: {  	[dreg:$0x3] =	wrdreg s6  }
0xaa: {  	[dreg:$0x4] =	wrdreg $0xC0  }
0xab: {  	_ =	task [dreg:s8], $0x5FFFF  }
0xac: {  	[dreg:$0x1] =	wrdreg $0xFFFFFFFF  }
0xad: {  	[dreg:$0x0] =	wrdreg $0x60  }
0xae: {  	[dreg:$0x2] =	wrdreg s0  }
0xaf: {  	[dreg:$0x3] =	wrdreg s16  }
0xb0: {  	[dreg:$0x4] =	wrdreg s2  }
0xb1: {  	[dreg:$0x5] =	wrdreg s3  }
0xb2: {  	[dreg:$0x6] =	wrdreg s22  }
0xb3: {  	[dreg:$0x7] =	wrdreg $0x9  }
0xb4: {  	_ =	task.clear_ibuf [dreg:s8], $0x8FFFF;
	_ =	strace $0x90000046  }
0xb5: {  	s26 =	simm.s32 $0x9;
	_ =	strace $0x80000048  }
0xb6: {  	_ =	swait.ge [sflag:s26], $0x1  }
0xb7: {  	[sflag:s26] =	ssyncadd.s32 $0xFFFFFFFF  }
0xb8: {  	_ =	strace $0x90000048  }
0xb9: {  	_ =	sfence  }
0xba: {  	s28 =	sld [smem:$0x0];
	_ =	sdelay $0x1  }
0xbb: {  	s29 =	srdreg.scid  }
0xbc: {  	s30 =	sshll.u32 s29, $0xD;
	s31 =	sshrl.u32 s29, $0x2  }
0xbd: {  	s1 =	sand.u32 $0x1, s29;
	s2 =	sand.u32 $0x4000, s30;
	s0 =	sadd.s32 s31, s28  }
0xbe: {  	s1 =	sor.u32 s2, s1;
	s0 =	sshll.u32 s0, $0x11  }
0xbf: {  	s0 =	sor.u32 s0, s1  }
0xc0: {  	s0 =	sadd.s32 $0x8F2B, s0  }
0xc1: {  	[sflag:s0] =	ssyncadd.remote.s32 $0x1  }
0xc2: {  	_ =	sfence.sel $0xFFFF  }
0xc3: {  	[dreg:$0x0] =	wrdreg $0xFFFFFFFF;
	(pc) =	sbr.abs _section_cstart, $3  }
0xc4: {  	[dreg:$0x1] =	wrdreg $0xFFFFFFFF  }
0xc5: {  	_ =	task.clear_ibuf [dreg:s8], $0x2FFFF;
	_ =	strace $0x9FFFFFFF  }
0xc6: {  	(tm) =	ssettm $0x7FFFFFFF  }
0xc7: {  	_ =	shalt  }
tec
execute0_lowered:
.L_overlay_start_1:
0x0: {  	(tag) =	ssettag $0x1  }
0x1: {  	s0 =	rddreg [dreg:$0x0]  }
0x2: {  	s1 =	rddreg [dreg:$0x1]  }
0x3: {  	s2 =	rddreg [dreg:$0x2]  }
0x4: {  	s3 =	rddreg [dreg:$0x3]  }
0x5: {  	s4 =	rddreg [dreg:$0x4]  }
0x6: {  	s5 =	rddreg [dreg:$0x5];
	s6 =	simm.s32 $0x0;
	s7 =	stileid.u32  }
0x7: {  	[smem:$0x7FF] =	sst s6;
	s8 =	sshll.u32 s7, $0x1  }
0x8: {  	s25 =	simm.s32 $0x3;
	_ =	strace $0x80000047;
	s0 =	sadd.s32 s0, s8  }
0x9: {  	[tilespmem:s6], [sflag:$0x3] =	stream.linear.gather [hbm4b:s0+s6], $0x10, $0x38;
	[tilespmem:$0x180] =	vst v63  }
0xa: {  	_ =	swait.ge [sflag:s25], $0x10  }
0xb: {  	[sflag:s25] =	ssyncset.done $0x0  }
0xc: {  	s26 =	simm.s32 $0x10;
	s9 =	simm.s32 $0x80;
	[sflag:s25] =	ssyncadd.s32 $0xFFFFFFF0  }
0xd: {  	[tilespmem:s9], [sflag:$0x1] =	stream.indirect.gather [hbm4b:s1+s26], $0x1, s6, s26, $0xb8;
	[tilespmem:$0x180] =	vst v63  }
0xe: {  	s28 =	simm.s32 $0x100;
	s29 =	simm.s32 $0x1  }
0xf: {  	[tilespmem:s28], [sflag:$0x2] =	stream.indirect.gather [hbm4b:s2+s26], $0x1, s6, s26, $0xb8;
	[tilespmem:$0x180] =	vst v63  }
0x10: {  	_ =	swait.ge [sflag:s29], $0x10  }
0x11: {  	[sflag:s29] =	ssyncset.done $0x0  }
0x12: {  	s30 =	simm.s32 $0x2;
	[sflag:s29] =	ssyncadd.s32 $0xFFFFFFF0  }
0x13: {  	_ =	swait.ge [sflag:s30], $0x10  }
0x14: {  	[sflag:s30] =	ssyncset.done $0x0  }
0x15: {  	s4 =	sadd.s32 s8, s4;
	s3 =	sadd.s32 s3, s8;
	[sflag:s30] =	ssyncadd.s32 $0xFFFFFFF0  }
0x16: {  	[hbm4b:s3+s6] =	stream.linear.scatter [tilespmem:s9], [sflag:$0x1], $0x10, $0x38;
	[tilespmem:$0x180] =	vst v63  }
0x17: {  	s31 =	sadd.s32 $0xE00, s4  }
0x18: {  	[hbm4b:s31+s6] =	stream.linear.scatter [tilespmem:s28], [sflag:$0x2], $0x10, $0x38;
	[tilespmem:$0x180] =	vst v63  }
0x19: {  	_ =	swait.ge [sflag:s29], $0x10  }
0x1a: {  	[sflag:s29] =	ssyncset.done $0x0  }
0x1b: {  	[sflag:s29] =	ssyncadd.s32 $0xFFFFFFF0  }
0x1c: {  	_ =	swait.ge [sflag:s30], $0x10  }
0x1d: {  	[sflag:s30] =	ssyncset.done $0x0  }
0x1e: {  	[sflag:s30] =	ssyncadd.s32 $0xFFFFFFF0  }
0x1f: {  	_ =	sfence.sel $0x180000  }
0x20: {  	[bflag:$0x0] =	sbarrier.arrive $0xFFFF  }
0x21: {  	p0 =	sne.s32 s7, $0x0;
	_ =	strace $0x90000047  }
0x22: {  	s0 =	sadd.s32 @!p0 $0x100000, s5;
	[bflag:$0x2] =	sbarrier.arrive $0xFFFF  }
0x23: {  	[sflag:s0] =	ssyncadd.tile.s32 @!p0 $0x1;
	_ =	shalt  }
.Lfunc_end2:
_tile_overlayer_lowered:
.L_overlay_start_2:
0x24: {  	(tag) =	ssettag $0x2  }
0x25: {  	s0 =	rddreg [dreg:$0x0];
	s2 =	stileid.u32  }
0x26: {  	s1 =	rddreg [dreg:$0x1];
	p0 =	sne.s32 s2, $0x0  }
0x27: {  	s3 =	rddreg [dreg:$0x2];
	[bflag:$0x3] =	sbarrier.arrive $0xFFFF;
	s2 =	simm.s32 @!p0 $0x1C03  }
0x28: {  	[timem:s3], [sflag:s2] =	dma.local @!p0 [hbm:s0], s1  }
0x29: {  	s0 =	simm.s32 @!p0 $0x3  }
0x2a: {  	_ =	swait.ge @!p0 [sflag:s0], s1  }
0x2b: {  	s1 =	ssub.s32 @!p0 $0x0, s1;
	[sflag:s0] =	ssyncset.done @!p0 $0x0  }
0x2c: {  	[sflag:s0] =	ssyncadd.s32 @!p0 s1  }
0x2d: {  	[bflag:$0x3] =	sbarrier.arrive $0xFFFF  }
0x2e: {  	_ =	shalt  }

</sc_bundles>
